<compile_context>
chip_gen: v7x
topology: tpu7x:2x2x1
jax: 0.10.2.dev20260603
libtpu: 0.0.44.dev20260713+nightly
codegen_flags: <defaults>
</compile_context>

<pallas_src>
import functools

import jax
import jax.numpy as jnp
from jax import lax
from jax.experimental import pallas as pl
from jax.experimental.pallas import tpu as pltpu
from jax.experimental.pallas import tpu_sc as plsc


@jax.jit
def _sc_lookup(time, betas, body_pose, global_orient, transl):
    mesh = plsc.ScalarSubcoreMesh(axis_name="core", num_cores=2)

    @functools.partial(
        pl.kernel,
        out_type=(
            jax.ShapeDtypeStruct((1, 10), jnp.float32),
            jax.ShapeDtypeStruct((1, 69), jnp.float32),
            jax.ShapeDtypeStruct((1, 3), jnp.float32),
            jax.ShapeDtypeStruct((1, 3), jnp.float32),
        ),
        mesh=mesh,
        scratch_types=[
            pltpu.SMEM((1,), jnp.int32),
            pltpu.SemaphoreType.DMA,
        ],
    )
    def k(time_ref, betas_ref, bp_ref, go_ref, tr_ref,
          betas_out, bp_out, go_out, tr_out, t_smem, sem):
        @pl.when(lax.axis_index("core") == 0)
        def _():
            c0 = pltpu.async_copy(betas_ref, betas_out, sem)
            pltpu.async_copy(time_ref, t_smem, sem).wait()
            t = t_smem[0]
            c1 = pltpu.async_copy(bp_ref.at[t], bp_out, sem)
            c2 = pltpu.async_copy(go_ref.at[t], go_out, sem)
            c3 = pltpu.async_copy(tr_ref.at[t], tr_out, sem)
            c0.wait()
            c1.wait()
            c2.wait()
            c3.wait()

    return k(time, betas, body_pose, global_orient, transl)


def kernel(time, betas, body_pose, global_orient, transl):
    return _sc_lookup(
        time.astype(jnp.int32), betas, body_pose, global_orient, transl
    )

# --- scband reference (transcript-rebuilt; emitter-appended) ---
"""Pipeline reference for scband-smplparam-embedding-2-62569083568723 (READ-ONLY COPY).

The authoritative reference and input builder live on the scoring server;
editing this copy changes nothing except your own understanding.
"""

import jax, jax.numpy as jnp
import numpy as np

T = 200  # number of tracked frames; times = list(range(T))

def setup_inputs(seed: int = 0) -> dict:
    key = jax.random.key(seed)
    k1, k2, k3, k4, k5 = jax.random.split(key, 5)
    # forward arg: time tensor of shape [1], value in [0, T)
    time = jax.random.randint(k1, (1,), 0, T)
    # learned parameters (the pretrained embedding tables)
    # betas: single shared table [1, 10] (from v[0] of a [1,1,10] kwarg)
    betas = jax.random.normal(k2, (1, 10), dtype=jnp.float32)
    # per-frame ModuleLists of Embedding tables, stacked: [T, 1, dim]
    body_pose = jax.random.normal(k3, (T, 1, 69), dtype=jnp.float32)
    global_orient = jax.random.normal(k4, (T, 1, 3), dtype=jnp.float32)
    transl = jax.random.normal(k5, (T, 1, 3), dtype=jnp.float32)
    return {
        "time": time,
        "betas": betas,
        "body_pose": body_pose,
        "global_orient": global_orient,
        "transl": transl,
    }

def reference(time, betas, body_pose, global_orient, transl):
    # times == list(range(T)), so self.times.index(time[0]) == time[0]
    idx = time[0]
    # torch.zeros_like(time) -> index 0 into each single-row embedding table
    zeros = jnp.zeros_like(time)
    # betas: self.betas(zeros) -> gather row 0 of [1, 10] table
    betas_out = jnp.take(betas, zeros, axis=0)
    # body_pose[idx](zeros): select frame table [1, 69], then gather row 0
    body_pose_out = jnp.take(jnp.take(body_pose, idx, axis=0), zeros, axis=0)
    global_orient_out = jnp.take(jnp.take(global_orient, idx, axis=0), zeros, axis=0)
    transl_out = jnp.take(jnp.take(transl, idx, axis=0), zeros, axis=0)
    # original returns a dict; return as tuple in fixed key order
    # ('betas', 'body_pose', 'global_orient', 'transl')
    return (betas_out, body_pose_out, global_orient_out, transl_out)

if __name__ == "__main__":
    import jax
    _d = setup_inputs()
    print(jax.jit(kernel)(*tuple(_d.values())))

</pallas_src>

<mosaic_0001>
#map = affine_map<(d0) -> (0)>
#map1 = affine_map<(d0) -> (0, 0)>
#map2 = affine_map<(d0) -> (0, 0, 0)>
module attributes {stable_mosaic.version = 14 : i64} {
  func.func @k(%arg0: i32, %arg1: memref<1xi32, #tpu.memory_space<hbm>>, %arg2: memref<1x10xf32, #tpu.memory_space<hbm>>, %arg3: memref<200x1x69xf32, #tpu.memory_space<hbm>>, %arg4: memref<200x1x3xf32, #tpu.memory_space<hbm>>, %arg5: memref<200x1x3xf32, #tpu.memory_space<hbm>>, %arg6: memref<1x10xf32, #tpu.memory_space<hbm>>, %arg7: memref<1x69xf32, #tpu.memory_space<hbm>>, %arg8: memref<1x3xf32, #tpu.memory_space<hbm>>, %arg9: memref<1x3xf32, #tpu.memory_space<hbm>>, %arg10: memref<1xi32, #tpu.memory_space<smem>>, %arg11: memref<!tpu.dma_semaphore, #tpu.memory_space<semaphore_mem>>) attributes {dimension_semantics = [#tpu.dimension_semantics<core_parallel>], iteration_bounds = array<i64: 2>, scalar_prefetch = 0 : i64, scratch_operands = 2 : i64, tpu.core_type = #tpu.core_type<sc_scalar_subcore>, window_params = [{transform_indices = #map}, {transform_indices = #map1}, {transform_indices = #map2}, {transform_indices = #map2}, {transform_indices = #map2}, {transform_indices = #map1}, {transform_indices = #map1}, {transform_indices = #map1}, {transform_indices = #map1}]} {
    %eq3A = arith.constant 0 : i32
    %eq3A_0 = arith.cmpi eq, %arg0, %eq3A : i32
    %convert_element_type3A = arith.extui %eq3A_0 : i1 to i32
    %cond3A = arith.constant 0 : i32
    %cond3A_1 = arith.cmpi ne, %convert_element_type3A, %cond3A : i32
    scf.if %cond3A_1 {
      tpu.enqueue_dma source(%arg2 : memref<1x10xf32, #tpu.memory_space<hbm>>) target(%arg6 : memref<1x10xf32, #tpu.memory_space<hbm>>) target_semaphore(%arg11 : memref<!tpu.dma_semaphore, #tpu.memory_space<semaphore_mem>>)
      tpu.enqueue_dma source(%arg1 : memref<1xi32, #tpu.memory_space<hbm>>) target(%arg10 : memref<1xi32, #tpu.memory_space<smem>>) target_semaphore(%arg11 : memref<!tpu.dma_semaphore, #tpu.memory_space<semaphore_mem>>)
      tpu.wait_dma2 semaphore(%arg11 : memref<!tpu.dma_semaphore, #tpu.memory_space<semaphore_mem>>) src(%arg1 : memref<1xi32, #tpu.memory_space<hbm>>) dst(%arg10 : memref<1xi32, #tpu.memory_space<smem>>)
      %get3A = arith.constant 0 : i32
      %get3A_2 = arith.index_cast %get3A : i32 to index
      %get3A_3 = memref.load %arg10[%get3A_2] : memref<1xi32, #tpu.memory_space<smem>>
      %dma_start3A = arith.constant 0 : i32
      %dma_start3A_4 = arith.constant 0 : i32
      %dma_start3A_5 = tpu.memref_slice %arg3[%get3A_3, %dma_start3A, %dma_start3A_4] : memref<200x1x69xf32, #tpu.memory_space<hbm>> -> memref<1x1x69xf32, #tpu.memory_space<hbm>>
      %dma_start3A_6 = tpu.memref_squeeze %dma_start3A_5 : memref<1x1x69xf32, #tpu.memory_space<hbm>> -> memref<1x69xf32, #tpu.memory_space<hbm>>
      tpu.enqueue_dma source(%dma_start3A_6 : memref<1x69xf32, #tpu.memory_space<hbm>>) target(%arg7 : memref<1x69xf32, #tpu.memory_space<hbm>>) target_semaphore(%arg11 : memref<!tpu.dma_semaphore, #tpu.memory_space<semaphore_mem>>)
      %dma_start3A_7 = arith.constant 0 : i32
      %dma_start3A_8 = arith.constant 0 : i32
      %dma_start3A_9 = tpu.memref_slice %arg4[%get3A_3, %dma_start3A_7, %dma_start3A_8] : memref<200x1x3xf32, #tpu.memory_space<hbm>> -> memref<1x1x3xf32, #tpu.memory_space<hbm>>
      %dma_start3A_10 = tpu.memref_squeeze %dma_start3A_9 : memref<1x1x3xf32, #tpu.memory_space<hbm>> -> memref<1x3xf32, #tpu.memory_space<hbm>>
      tpu.enqueue_dma source(%dma_start3A_10 : memref<1x3xf32, #tpu.memory_space<hbm>>) target(%arg8 : memref<1x3xf32, #tpu.memory_space<hbm>>) target_semaphore(%arg11 : memref<!tpu.dma_semaphore, #tpu.memory_space<semaphore_mem>>)
      %dma_start3A_11 = arith.constant 0 : i32
      %dma_start3A_12 = arith.constant 0 : i32
      %dma_start3A_13 = tpu.memref_slice %arg5[%get3A_3, %dma_start3A_11, %dma_start3A_12] : memref<200x1x3xf32, #tpu.memory_space<hbm>> -> memref<1x1x3xf32, #tpu.memory_space<hbm>>
      %dma_start3A_14 = tpu.memref_squeeze %dma_start3A_13 : memref<1x1x3xf32, #tpu.memory_space<hbm>> -> memref<1x3xf32, #tpu.memory_space<hbm>>
      tpu.enqueue_dma source(%dma_start3A_14 : memref<1x3xf32, #tpu.memory_space<hbm>>) target(%arg9 : memref<1x3xf32, #tpu.memory_space<hbm>>) target_semaphore(%arg11 : memref<!tpu.dma_semaphore, #tpu.memory_space<semaphore_mem>>)
      tpu.wait_dma2 semaphore(%arg11 : memref<!tpu.dma_semaphore, #tpu.memory_space<semaphore_mem>>) src(%arg2 : memref<1x10xf32, #tpu.memory_space<hbm>>) dst(%arg6 : memref<1x10xf32, #tpu.memory_space<hbm>>)
      %dma_wait3A = arith.constant 0 : i32
      %dma_wait3A_15 = arith.constant 0 : i32
      %dma_wait3A_16 = tpu.memref_slice %arg3[%get3A_3, %dma_wait3A, %dma_wait3A_15] : memref<200x1x69xf32, #tpu.memory_space<hbm>> -> memref<1x1x69xf32, #tpu.memory_space<hbm>>
      %dma_wait3A_17 = tpu.memref_squeeze %dma_wait3A_16 : memref<1x1x69xf32, #tpu.memory_space<hbm>> -> memref<1x69xf32, #tpu.memory_space<hbm>>
      tpu.wait_dma2 semaphore(%arg11 : memref<!tpu.dma_semaphore, #tpu.memory_space<semaphore_mem>>) src(%dma_wait3A_17 : memref<1x69xf32, #tpu.memory_space<hbm>>) dst(%arg7 : memref<1x69xf32, #tpu.memory_space<hbm>>)
      %dma_wait3A_18 = arith.constant 0 : i32
      %dma_wait3A_19 = arith.constant 0 : i32
      %dma_wait3A_20 = tpu.memref_slice %arg4[%get3A_3, %dma_wait3A_18, %dma_wait3A_19] : memref<200x1x3xf32, #tpu.memory_space<hbm>> -> memref<1x1x3xf32, #tpu.memory_space<hbm>>
      %dma_wait3A_21 = tpu.memref_squeeze %dma_wait3A_20 : memref<1x1x3xf32, #tpu.memory_space<hbm>> -> memref<1x3xf32, #tpu.memory_space<hbm>>
      tpu.wait_dma2 semaphore(%arg11 : memref<!tpu.dma_semaphore, #tpu.memory_space<semaphore_mem>>) src(%dma_wait3A_21 : memref<1x3xf32, #tpu.memory_space<hbm>>) dst(%arg8 : memref<1x3xf32, #tpu.memory_space<hbm>>)
      %dma_wait3A_22 = arith.constant 0 : i32
      %dma_wait3A_23 = arith.constant 0 : i32
      %dma_wait3A_24 = tpu.memref_slice %arg5[%get3A_3, %dma_wait3A_22, %dma_wait3A_23] : memref<200x1x3xf32, #tpu.memory_space<hbm>> -> memref<1x1x3xf32, #tpu.memory_space<hbm>>
      %dma_wait3A_25 = tpu.memref_squeeze %dma_wait3A_24 : memref<1x1x3xf32, #tpu.memory_space<hbm>> -> memref<1x3xf32, #tpu.memory_space<hbm>>
      tpu.wait_dma2 semaphore(%arg11 : memref<!tpu.dma_semaphore, #tpu.memory_space<semaphore_mem>>) src(%dma_wait3A_25 : memref<1x3xf32, #tpu.memory_space<hbm>>) dst(%arg9 : memref<1x3xf32, #tpu.memory_space<hbm>>)
    } else {
    }
    return
  }
}

</mosaic_0001>

<sc_bundles>
// kernel: _sc_lookup.3.cloned.1.call-start
scs
__scs_entry_jumppad:
0x0: {  	(pc) =	sbr.rel $0x88, $3  }
0x1: {  	(tag) =	ssettag $0x0;
	lr =	simm.s32 $0x1  }
0x2: {  	[smem:$0x3F9C] =	sst lr;
	_ =	strace $0xD0000000  }
0x3: {  	_ = 	snop  }
0x4: {  	_ = 	snop  }
0x5: {  	_ = 	snop  }
0x6: {  	_ = 	snop  }
0x7: {  	_ = 	snop  }
__scs_overlays_trampoline_lowered:
0x8: {  	[smem:$0x3FAB] =	sst s0  }
0x9: {  	[smem:$0x3FAC] =	sst s1  }
0xa: {  	[smem:$0x3FAD] =	sst s2  }
0xb: {  	[smem:$0x3FAE] =	sst s3  }
0xc: {  	[smem:$0x3FAF] =	sst s4  }
0xd: {  	[smem:$0x3FB0] =	sst s5  }
0xe: {  	[smem:$0x3FB1] =	sst s6  }
0xf: {  	[smem:$0x3FB2] =	sst s7  }
0x10: {  	[smem:$0x3FB3] =	sst s8  }
0x11: {  	[smem:$0x3FB4] =	sst s9;
	s0 =	simm.s32 @!p0 $0x0  }
0x12: {  	s1 =	sld [smem:$0x3F9A];
	s0 =	simm.s32 @p0 $0x1  }
0x13: {  	[smem:$0x3FB5] =	sst s0;
	s0 =	simm.s32 @!p1 $0x0  }
0x14: {  	s2 =	sld [smem:$0x3F99];
	s0 =	simm.s32 @p1 $0x1  }
0x15: {  	[smem:$0x3FB6] =	sst s0;
	s0 =	simm.s32 @!p2 $0x0  }
0x16: {  	s3 =	sld [smem:$0x3FDB];
	s0 =	simm.s32 @p2 $0x1  }
0x17: {  	s4 =	simm.s32 $0x1BF5;
	[smem:$0x3FB8] =	sst s0  }
0x18: {  	s0 =	sld [smem:$0x3F9B];
	_ =	swait.ge [sflag:s4], $0x0  }
0x19: {  	s7 =	sld [smem:$0x3F9C]  }
0x1a: {  	s8 =	sadd.s32 $0xFFFFE003, lr  }
0x1b: {  	s9 =	sadd.s32 $0xFFFFFEF7, lr;
	s5 =	simm.s32 $0xFFFFFFFF;
	p2 =	slt.u32 s8, $0xFFFFF086  }
0x1c: {  	p1 =	slt.u32 s9, $0xF7A;
	s5 =	simm.s32 @!p2 $0x0  }
0x1d: {  	s5 =	simm.s32 @p1 $0x1;
	p0 =	seq.s32 s7, s2  }
0x1e: {  	s7 =	smul.u32 @!p0 $0xF7A, s2;
	p2 =	seq.s32 @!p0 s5, $0x0  }
0x1f: {  	s9 =	smul.u32 $0xF7A, s1;
	s8 =	simm.s32 @!p0 $0x1BF5;
	p2 =	por !p2, p0  }
0x20: {  	[sflag:s8] =	ssyncset.s32 @!p0 $0xFFFFF086;
	s6 =	sadd.s32 @!p0 s3, s7;
	s7 =	simm.s32 @!p0 $0x108  }
0x21: {  	s3 =	sadd.s32 s3, s9;
	s6 =	sadd.s32 @!p0 $0x88, s6;
	s7 =	simm.s32 @p2 $0x1082  }
0x22: {  	[simem:s7], [sflag:s8] =	dma.local @!p0 [hbm:s6], $0xF7A  }
0x23: {  	s9 =	sor.u32 $0xD0000000, s2;
	s6 =	simm.s32 $0x108;
	_ =	swait.ge @!p0 [sflag:s8], $0x0  }
0x24: {  	s3 =	sadd.s32 $0x88, s3;
	s6 =	simm.s32 @!p1 $0x1082;
	[sflag:s4] =	ssyncset.s32 $0xFFFFF086  }
0x25: {  	[simem:s6], [sflag:s4] =	dma.local [hbm:s3], $0xF7A  }
0x26: {  	[smem:$0x3F9C] =	sst s1;
	(tag) =	ssettag s2;
	_ =	strace s9  }
0x27: {  	s1 =	sld [smem:$0x3FAC]  }
0x28: {  	s2 =	sld [smem:$0x3FAD]  }
0x29: {  	s4 =	sld [smem:$0x3FAF]  }
0x2a: {  	p0 =	seq.s32 s5, $0x0;
	s5 =	sld [smem:$0x3FB0]  }
0x2b: {  	s6 =	sld [smem:$0x3FB1]  }
0x2c: {  	s7 =	sld [smem:$0x3FB2]  }
0x2d: {  	s3 =	simm.s32 $0x108;
	s8 =	sld [smem:$0x3FB3]  }
0x2e: {  	s3 =	simm.s32 @!p0 $0x1082;
	s9 =	sld [smem:$0x3FB4]  }
0x2f: {  	lr =	sadd.s32 s0, s3;
	s0 =	sld [smem:$0x3FAB]  }
0x30: {  	s3 =	sld [smem:$0x3FAE]  }
0x31: {  	[smem:$0x3FB7] =	sst s10  }
0x32: {  	s10 =	sld [smem:$0x3FB5];
	_ =	sdelay $0x3  }
0x33: {  	p0 =	seq.s32 s10, $0x1;
	s10 =	sld [smem:$0x3FB7];
	_ =	sdelay $0x3  }
0x34: {  	[smem:$0x3FB7] =	sst s10  }
0x35: {  	s10 =	sld [smem:$0x3FB6];
	_ =	sdelay $0x3  }
0x36: {  	p1 =	seq.s32 s10, $0x1;
	s10 =	sld [smem:$0x3FB7];
	_ =	sdelay $0x3  }
0x37: {  	[smem:$0x3FB7] =	sst s10  }
0x38: {  	s10 =	sld [smem:$0x3FB8]  }
0x39: {  	_ = 	snop;
	(pc) =	sbr.ind lr, $3  }
0x3a: {  	_ = 	snop  }
0x3b: {  	_ = 	snop  }
0x3c: {  	p2 =	seq.s32 s10, $0x1;
	s10 =	sld [smem:$0x3FB7]  }
0x3d: {  	_ =	shalt  }
0x3e: {  	_ =	shalt  }
0x3f: {  	_ =	shalt  }
0x40: {  	_ =	shalt  }
0x41: {  	_ =	shalt  }
0x42: {  	_ =	shalt  }
0x43: {  	_ =	shalt  }
0x44: {  	_ =	shalt  }
0x45: {  	_ =	shalt  }
0x46: {  	_ =	shalt  }
0x47: {  	_ =	shalt  }
0x48: {  	_ =	shalt  }
0x49: {  	_ =	shalt  }
0x4a: {  	_ =	shalt  }
0x4b: {  	_ =	shalt  }
0x4c: {  	_ =	shalt  }
0x4d: {  	_ =	shalt  }
0x4e: {  	_ =	shalt  }
0x4f: {  	_ =	shalt  }
0x50: {  	_ =	shalt  }
0x51: {  	_ =	shalt  }
0x52: {  	_ =	shalt  }
0x53: {  	_ =	shalt  }
0x54: {  	_ =	shalt  }
0x55: {  	_ =	shalt  }
0x56: {  	_ =	shalt  }
0x57: {  	_ =	shalt  }
0x58: {  	_ =	shalt  }
0x59: {  	_ =	shalt  }
0x5a: {  	_ =	shalt  }
0x5b: {  	_ =	shalt  }
0x5c: {  	_ =	shalt  }
0x5d: {  	_ =	shalt  }
0x5e: {  	_ =	shalt  }
0x5f: {  	_ =	shalt  }
0x60: {  	_ =	shalt  }
0x61: {  	_ =	shalt  }
0x62: {  	_ =	shalt  }
0x63: {  	_ =	shalt  }
0x64: {  	_ =	shalt  }
0x65: {  	_ =	shalt  }
0x66: {  	_ =	shalt  }
0x67: {  	_ =	shalt  }
0x68: {  	_ =	shalt  }
0x69: {  	_ =	shalt  }
0x6a: {  	_ =	shalt  }
0x6b: {  	_ =	shalt  }
0x6c: {  	_ =	shalt  }
0x6d: {  	_ =	shalt  }
0x6e: {  	_ =	shalt  }
0x6f: {  	_ =	shalt  }
0x70: {  	_ =	shalt  }
0x71: {  	_ =	shalt  }
0x72: {  	_ =	shalt  }
0x73: {  	_ =	shalt  }
0x74: {  	_ =	shalt  }
0x75: {  	_ =	shalt  }
0x76: {  	_ =	shalt  }
0x77: {  	_ =	shalt  }
0x78: {  	_ =	shalt  }
0x79: {  	_ =	shalt  }
0x7a: {  	_ =	shalt  }
0x7b: {  	_ =	shalt  }
0x7c: {  	_ =	shalt  }
0x7d: {  	_ =	shalt  }
0x7e: {  	_ =	shalt  }
0x7f: {  	_ =	shalt  }
0x80: {  	_ =	shalt  }
0x81: {  	_ =	shalt  }
0x82: {  	_ =	shalt  }
0x83: {  	_ =	shalt  }
0x84: {  	_ =	shalt  }
0x85: {  	_ =	shalt  }
0x86: {  	_ =	shalt  }
0x87: {  	_ =	shalt  }
.Lfunc_end0:
.L_simem_size_0:
called_computation_lowered:
.L_overlay_start_0:
0x88: {  	s2 =	sld [smem:$0x3FD9]  }
0x89: {  	s3 =	sld [smem:$0x3FFE];
	_ =	sdelay $0x1  }
0x8a: {  	s1 =	srdreg.scid  }
0x8b: {  	s0 =	sand.u32 $0x1, s1  }
0x8c: {  	s25 =	sshll.u32 s0, $0xA;
	s2 =	sadd.s32 s3, s2  }
0x8d: {  	s2 =	sadd.s32 s2, s25  }
0x8e: {  	[smem:$0x3FC3] =	sst s2  }
0x8f: {  	_ = 	snop  }
0x90: {  	s2 =	sld [smem:$0x3FD0];
	_ =	sdelay $0x1  }
0x91: {  	s3 =	sld [smem:$0x3FC9]  }
0x92: {  	s5 =	simm.s32 $0xA;
	s6 =	simm.s32 $0x90;
	s4 =	sld [smem:$0x3FC8]  }
0x93: {  	[smem:s6], [sflag:s5] =	dma.local [hbm:s2], $0x1  }
0x94: {  	_ =	swait.eq [sflag:s5], $0x1  }
0x95: {  	s2 =	sld [smem:$0x90]  }
0x96: {  	s6 =	sld [smem:$0x91]  }
0x97: {  	[sflag:s5] =	ssyncset.done $0x0;
	s7 =	sld [smem:$0x92]  }
0x98: {  	s8 =	simm.s32 $0x0;
	[sflag:s5] =	ssyncadd.s32 $0xFFFFFFFF;
	s5 =	sld [smem:$0x93]  }
0x99: {  	[smem:$0xF] =	sst s8  }
0x9a: {  	(tm) =	ssettm $0x1  }
0x9b: {  	s26 =	sld [smem:$0x3FFB];
	_ =	sdelay $0x3  }
0x9c: {  	_ =	strace s26  }
0x9d: {  	s8 =	sld [smem:$0x3FFC];
	_ =	sdelay $0x3  }
0x9e: {  	_ =	strace s8  }
0x9f: {  	s8 =	sld [smem:$0x3FFD];
	_ =	sdelay $0x3  }
0xa0: {  	_ =	strace s8  }
0xa1: {  	s28 =	simm.s32 $0x1B8B;
	_ =	strace $0x8FFFFFFF  }
0xa2: {  	_ =	swait.ge [sflag:s28], $0x1  }
0xa3: {  	[sflag:s28] =	ssyncset.done $0x0  }
0xa4: {  	s9 =	simm.s32 $0x1B8E;
	[sflag:s28] =	ssyncadd.s32 $0xFFFFFFFF  }
0xa5: {  	p0 =	seq.s32 s0, $0x1;
	[smem:$0x3FD2] =	sst s9  }
0xa6: {  	s29 =	sld [smem:$0x3FFE];
	s9 =	simm.s32 @!p0 $0x9;
	_ =	strace $0x80000046  }
0xa7: {  	[hbm:s2], [sflag:s9] =	dma.local @!p0 [hbm:s4], $0x10  }
0xa8: {  	s2 =	simm.s32 @!p0 $0x10  }
0xa9: {  	[smem:s2], [sflag:s9] =	dma.local @!p0 [hbm:s3], $0x10  }
0xaa: {  	_ =	swait.ge @!p0 [sflag:s9], $0x10  }
0xab: {  	[sflag:s9] =	ssyncset.done @!p0 $0x0  }
0xac: {  	[sflag:s9] =	ssyncadd.s32 @!p0 $0xFFFFFFF0  }
0xad: {  	s2 =	sld @!p0 [smem:$0x10];
	_ =	sdelay $0x3  }
0xae: {  	s2 =	sshll.u32 @!p0 s2, $0x4  }
0xaf: {  	s3 =	sadd.s32 $0xA00, s29;
	s2 =	sand.u32 @!p0 $0x1FFFFFF0, s2  }
0xb0: {  	s4 =	sadd.s32 $0x1800, s29;
	s3 =	sadd.s32 @!p0 s3, s2  }
0xb1: {  	[hbm:s6], [sflag:s9] =	dma.local @!p0 [hbm:s3], $0x10  }
0xb2: {  	s4 =	sadd.s32 @!p0 s4, s2;
	s3 =	sadd.s32 $0x2600, s29  }
0xb3: {  	[hbm:s7], [sflag:s9] =	dma.local @!p0 [hbm:s4], $0x10  }
0xb4: {  	s2 =	sadd.s32 @!p0 s3, s2  }
0xb5: {  	[hbm:s5], [sflag:s9] =	dma.local @!p0 [hbm:s2], $0x10  }
0xb6: {  	_ =	swait.ge @!p0 [sflag:s9], $0x10  }
0xb7: {  	[sflag:s9] =	ssyncset.done @!p0 $0x0  }
0xb8: {  	[sflag:s9] =	ssyncadd.s32 @!p0 $0xFFFFFFF0;
	_ =	sdelay $0x2  }
0xb9: {  	_ =	swait.ge @!p0 [sflag:s9], $0x10  }
0xba: {  	[sflag:s9] =	ssyncset.done @!p0 $0x0  }
0xbb: {  	[sflag:s9] =	ssyncadd.s32 @!p0 $0xFFFFFFF0;
	_ =	sdelay $0x2  }
0xbc: {  	_ =	swait.ge @!p0 [sflag:s9], $0x10  }
0xbd: {  	[sflag:s9] =	ssyncset.done @!p0 $0x0  }
0xbe: {  	[sflag:s9] =	ssyncadd.s32 @!p0 $0xFFFFFFF0;
	_ =	sdelay $0x2  }
0xbf: {  	_ =	swait.ge @!p0 [sflag:s9], $0x10  }
0xc0: {  	[sflag:s9] =	ssyncset.done @!p0 $0x0  }
0xc1: {  	[sflag:s9] =	ssyncadd.s32 @!p0 $0xFFFFFFF0  }
0xc2: {  	_ =	strace $0x90000046  }
0xc3: {  	_ =	sfence  }
0xc4: {  	s30 =	sld [smem:$0x0];
	_ =	sdelay $0x2  }
0xc5: {  	s31 =	sshll.u32 s1, $0xD;
	s1 =	sshrl.u32 s1, $0x2  }
0xc6: {  	s3 =	sand.u32 $0x4000, s31;
	s1 =	sadd.s32 s1, s30  }
0xc7: {  	s0 =	sor.u32 s3, s0;
	s1 =	sshll.u32 s1, $0x11  }
0xc8: {  	s0 =	sor.u32 s1, s0  }
0xc9: {  	s0 =	sadd.s32 $0x8F2B, s0;
	(pc) =	sbr.abs _section_cstart, $3  }
0xca: {  	[sflag:s0] =	ssyncadd.remote.s32 $0x1  }
0xcb: {  	_ =	strace $0x9FFFFFFF  }
0xcc: {  	(tm) =	ssettm $0x7FFFFFFF  }
0xcd: {  	_ =	shalt  }

</sc_bundles>
